<compile_context>
chip_gen: v7x
topology: tpu7x:2x2x1
jax: 0.10.2.dev20260603
libtpu: 0.0.44.dev20260713+nightly
codegen_flags: <defaults>
</compile_context>

<pallas_src>
import functools

import jax
import jax.numpy as jnp
from jax import lax
from jax.experimental import pallas as pl
from jax.experimental.pallas import tpu as pltpu
from jax.experimental.pallas import tpu_sc as plsc

HIDDEN = 128
BATCH = 16384
NC = 2
NS = 16
NW = NC * NS

PER_W = BATCH // NW
CH = 256
NCH = PER_W // CH

REL_PAD = 512

_EPS = 1e-12


def _sc_gather(node_emb, head_idx, tail_idx):
    mesh = plsc.VectorSubcoreMesh(core_axis_name="c", subcore_axis_name="s")
    out = jax.ShapeDtypeStruct((BATCH, HIDDEN), jnp.float32)

    @functools.partial(
        pl.kernel,
        mesh=mesh,
        out_type=[out, out],
        scratch_types=[
            pltpu.VMEM((PER_W,), jnp.int32),
            pltpu.VMEM((PER_W,), jnp.int32),
            pltpu.VMEM((CH, HIDDEN), jnp.float32),
            pltpu.VMEM((CH, HIDDEN), jnp.float32),
            pltpu.SemaphoreType.DMA,
            pltpu.SemaphoreType.DMA,
        ],
    )
    def gather_kernel(node_hbm, hidx_hbm, tidx_hbm, h_out, t_out,
                      hidx_v, tidx_v, rows0, rows1, s0, s1):
        wid = lax.axis_index("s") * NC + lax.axis_index("c")
        base = wid * PER_W

        pltpu.sync_copy(hidx_hbm.at[pl.ds(base, PER_W)], hidx_v)

        rows = [rows0, rows1]
        sems = [s0, s1]
        chunks = []
        for idx_v, out_ref in ((hidx_v, h_out), (tidx_v, t_out)):
            for j in range(NCH):
                chunks.append((idx_v, j * CH, out_ref))
        n = len(chunks)

        def start(k):
            idx_v, off, _ = chunks[k]
            return pltpu.async_copy(
                node_hbm.at[idx_v.at[pl.ds(off, CH)]], rows[k % 2],
                sems[k % 2])

        inflight = {0: start(0), 1: start(1)}
        pltpu.sync_copy(tidx_hbm.at[pl.ds(base, PER_W)], tidx_v)
        for k in range(n):
            inflight[k].wait()
            _, off, out_ref = chunks[k]
            pltpu.sync_copy(rows[k % 2], out_ref.at[pl.ds(base + off, CH)])
            if k + 2 < n:
                inflight[k + 2] = start(k + 2)

    return gather_kernel(node_emb, head_idx, tail_idx)


_REL_BLK = 2048


def _rel_body(idx_ref, rel_ref, o_ref):
    idx = idx_ref[0, :]
    one_hot = (lax.broadcasted_iota(jnp.int32, (_REL_BLK, REL_PAD), 1)
               == idx[:, None]).astype(jnp.bfloat16)
    x = rel_ref[...]
    hi = x.astype(jnp.bfloat16)
    lo = (x - hi.astype(jnp.float32)).astype(jnp.bfloat16)
    acc = jnp.dot(one_hot, hi, preferred_element_type=jnp.float32)
    acc = acc + jnp.dot(one_hot, lo, preferred_element_type=jnp.float32)
    o_ref[...] = acc


def _tc_rel_gather(rel_emb_pad, rel_idx):
    return pl.pallas_call(
        _rel_body,
        grid=(BATCH // _REL_BLK,),
        in_specs=[
            pl.BlockSpec((1, _REL_BLK), lambda i: (0, i)),
            pl.BlockSpec((REL_PAD, HIDDEN), lambda i: (0, 0)),
        ],
        out_specs=pl.BlockSpec((_REL_BLK, HIDDEN), lambda i: (i, 0)),
        out_shape=jax.ShapeDtypeStruct((BATCH, HIDDEN), jnp.float32),
    )(rel_idx.reshape(1, BATCH), rel_emb_pad)


def _norm_body(h_ref, t_ref, oh_ref, ot_ref):
    for src, dst in ((h_ref, oh_ref), (t_ref, ot_ref)):
        x = src[...]
        nrm = jnp.sum(jnp.abs(x), axis=-1, keepdims=True)
        dst[...] = x * (1.0 / jnp.maximum(nrm, _EPS))


def _tc_normalize(h, t):
    blk = 8192
    spec = pl.BlockSpec((blk, HIDDEN), lambda i: (i, 0))
    out = jax.ShapeDtypeStruct((BATCH, HIDDEN), jnp.float32)
    return pl.pallas_call(
        _norm_body,
        grid=(BATCH // blk,),
        in_specs=[spec, spec],
        out_specs=[spec, spec],
        out_shape=[out, out],
    )(h, t)


@jax.jit
def kernel(head_index, rel_type, tail_index, node_emb, rel_emb):
    rel_emb_pad = jnp.pad(rel_emb, ((0, REL_PAD - rel_emb.shape[0]), (0, 0)))
    h_raw, t_raw = _sc_gather(node_emb,
                              head_index.astype(jnp.int32),
                              tail_index.astype(jnp.int32))
    rel = _tc_rel_gather(rel_emb_pad, rel_type.astype(jnp.int32))
    head, tail = _tc_normalize(h_raw, t_raw)
    return (head, rel, tail)

# --- scband reference (transcript-rebuilt; emitter-appended) ---
"""Pipeline reference for scband-trans-e-22660247454489 (READ-ONLY COPY).

The authoritative reference and input builder live on the scoring server;
editing this copy changes nothing except your own understanding.
"""

import math
import jax, jax.numpy as jnp
import numpy as np

NUM_NODES = 1000000
NUM_RELATIONS = 500
HIDDEN = 128
BATCH = 16384
P_NORM = 1.0


def _l1_normalize(x, eps=1e-12):
    # matches torch F.normalize(p=1): x / max(||x||_1, eps)
    n = jnp.sum(jnp.abs(x), axis=-1, keepdims=True)
    return x / jnp.maximum(n, eps)


def setup_inputs(seed: int = 0) -> dict:
    key = jax.random.key(seed)
    k1, k2, k3, k4, k5 = jax.random.split(key, 5)
    head_index = jax.random.randint(k1, (BATCH,), 0, NUM_NODES, dtype=jnp.int64 if jax.config.jax_enable_x64 else jnp.int32)
    rel_type = jax.random.randint(k2, (BATCH,), 0, NUM_RELATIONS, dtype=jnp.int64 if jax.config.jax_enable_x64 else jnp.int32)
    tail_index = jax.random.randint(k3, (BATCH,), 0, NUM_NODES, dtype=jnp.int64 if jax.config.jax_enable_x64 else jnp.int32)
    bound = 6.0 / math.sqrt(HIDDEN)
    node_emb = jax.random.uniform(k4, (NUM_NODES, HIDDEN), minval=-bound, maxval=bound, dtype=jnp.float32)
    rel_emb = jax.random.uniform(k5, (NUM_RELATIONS, HIDDEN), minval=-bound, maxval=bound, dtype=jnp.float32)
    # reset_parameters() L1-normalizes the relation embedding table in-place
    rel_emb = _l1_normalize(rel_emb)
    return {
        "head_index": head_index,
        "rel_type": rel_type,
        "tail_index": tail_index,
        "node_emb": node_emb,
        "rel_emb": rel_emb,
    }


def reference(head_index, rel_type, tail_index, node_emb, rel_emb):
    head = jnp.take(node_emb, head_index, axis=0)
    rel = jnp.take(rel_emb, rel_type, axis=0)
    tail = jnp.take(node_emb, tail_index, axis=0)
    head = _l1_normalize(head)
    tail = _l1_normalize(tail)
    return (head, rel, tail)

if __name__ == "__main__":
    import jax
    _d = setup_inputs()
    print(jax.jit(kernel)(*tuple(_d.values())))

</pallas_src>

<mosaic_0001>
#map = affine_map<(d0, d1) -> (0, 0)>
#map1 = affine_map<(d0, d1) -> (0)>
module attributes {stable_mosaic.version = 14 : i64} {
  func.func @gather_kernel(%arg0: i32, %arg1: i32, %arg2: memref<1000000x128xf32, #tpu.memory_space<hbm>>, %arg3: memref<16384xi32, #tpu.memory_space<hbm>>, %arg4: memref<16384xi32, #tpu.memory_space<hbm>>, %arg5: memref<16384x128xf32, #tpu.memory_space<hbm>>, %arg6: memref<16384x128xf32, #tpu.memory_space<hbm>>, %arg7: memref<512xi32, #tpu.memory_space<vmem>>, %arg8: memref<512xi32, #tpu.memory_space<vmem>>, %arg9: memref<256x128xf32, #tpu.memory_space<vmem>>, %arg10: memref<256x128xf32, #tpu.memory_space<vmem>>, %arg11: memref<!tpu.dma_semaphore, #tpu.memory_space<semaphore_mem>>, %arg12: memref<!tpu.dma_semaphore, #tpu.memory_space<semaphore_mem>>) attributes {dimension_semantics = [#tpu.dimension_semantics<core_parallel>, #tpu.dimension_semantics<subcore_parallel>], iteration_bounds = array<i64: 2, 16>, scalar_prefetch = 0 : i64, scratch_operands = 6 : i64, tpu.core_type = #tpu.core_type<sc_vector_subcore>, window_params = [{transform_indices = #map}, {transform_indices = #map1}, {transform_indices = #map1}, {transform_indices = #map}, {transform_indices = #map}]} {
    %mul3A = arith.constant 2 : i32
    %mul3A_0 = arith.muli %arg1, %mul3A : i32
    %add3A = arith.addi %mul3A_0, %arg0 : i32
    %mul3A_1 = arith.constant 512 : i32
    %mul3A_2 = arith.muli %add3A, %mul3A_1 : i32
    "tpu.region"() ({
      %run_scoped3A = tpu.sem_alloc : memref<!tpu.dma_semaphore, #tpu.memory_space<semaphore_mem>>
      %dma_start3A_49 = tpu.memref_slice %arg3[%mul3A_2] : memref<16384xi32, #tpu.memory_space<hbm>> -> memref<512xi32, #tpu.memory_space<hbm>>
      %dma_start3A_50 = tpu.memref_slice %arg3[%mul3A_2] : memref<16384xi32, #tpu.memory_space<hbm>> -> memref<512xi32, #tpu.memory_space<hbm>>
      tpu.enqueue_dma source(%dma_start3A_50 : memref<512xi32, #tpu.memory_space<hbm>>) target(%arg7 : memref<512xi32, #tpu.memory_space<vmem>>) target_semaphore(%run_scoped3A : memref<!tpu.dma_semaphore, #tpu.memory_space<semaphore_mem>>)
      %dma_wait3A_51 = tpu.memref_slice %arg3[%mul3A_2] : memref<16384xi32, #tpu.memory_space<hbm>> -> memref<512xi32, #tpu.memory_space<hbm>>
      %dma_wait3A_52 = tpu.memref_slice %arg3[%mul3A_2] : memref<16384xi32, #tpu.memory_space<hbm>> -> memref<512xi32, #tpu.memory_space<hbm>>
      tpu.wait_dma2 semaphore(%run_scoped3A : memref<!tpu.dma_semaphore, #tpu.memory_space<semaphore_mem>>) src(%dma_wait3A_52 : memref<512xi32, #tpu.memory_space<hbm>>) dst(%arg7 : memref<512xi32, #tpu.memory_space<vmem>>)
      tpu.yield
    }) : () -> ()
    %dma_start3A = arith.constant 0 : i32
    %dma_start3A_3 = tpu.memref_slice %arg7[%dma_start3A] : memref<512xi32, #tpu.memory_space<vmem>> -> memref<256xi32, #tpu.memory_space<vmem>>
    %dma_start3A_4 = arith.constant 0 : i32
    %dma_start3A_5 = arith.constant 0 : i32
    %dma_start3A_6 = tpu.memref_slice %arg2[%dma_start3A_4, %dma_start3A_5] : memref<1000000x128xf32, #tpu.memory_space<hbm>> -> memref<1000000x128xf32, #tpu.memory_space<hbm>>
    tpu.enqueue_indirect_dma source(%dma_start3A_6 : memref<1000000x128xf32, #tpu.memory_space<hbm>>) target(%arg9 : memref<256x128xf32, #tpu.memory_space<vmem>>) offsets(%dma_start3A_3 : memref<256xi32, #tpu.memory_space<vmem>>) semaphore(%arg11 : memref<!tpu.dma_semaphore, #tpu.memory_space<semaphore_mem>>)
    %dma_start3A_7 = arith.constant 256 : i32
    %dma_start3A_8 = tpu.memref_slice %arg7[%dma_start3A_7] : memref<512xi32, #tpu.memory_space<vmem>> -> memref<256xi32, #tpu.memory_space<vmem>>
    %dma_start3A_9 = arith.constant 0 : i32
    %dma_start3A_10 = arith.constant 0 : i32
    %dma_start3A_11 = tpu.memref_slice %arg2[%dma_start3A_9, %dma_start3A_10] : memref<1000000x128xf32, #tpu.memory_space<hbm>> -> memref<1000000x128xf32, #tpu.memory_space<hbm>>
    tpu.enqueue_indirect_dma source(%dma_start3A_11 : memref<1000000x128xf32, #tpu.memory_space<hbm>>) target(%arg10 : memref<256x128xf32, #tpu.memory_space<vmem>>) offsets(%dma_start3A_8 : memref<256xi32, #tpu.memory_space<vmem>>) semaphore(%arg12 : memref<!tpu.dma_semaphore, #tpu.memory_space<semaphore_mem>>)
    "tpu.region"() ({
      %run_scoped3A = tpu.sem_alloc : memref<!tpu.dma_semaphore, #tpu.memory_space<semaphore_mem>>
      %dma_start3A_49 = tpu.memref_slice %arg4[%mul3A_2] : memref<16384xi32, #tpu.memory_space<hbm>> -> memref<512xi32, #tpu.memory_space<hbm>>
      %dma_start3A_50 = tpu.memref_slice %arg4[%mul3A_2] : memref<16384xi32, #tpu.memory_space<hbm>> -> memref<512xi32, #tpu.memory_space<hbm>>
      tpu.enqueue_dma source(%dma_start3A_50 : memref<512xi32, #tpu.memory_space<hbm>>) target(%arg8 : memref<512xi32, #tpu.memory_space<vmem>>) target_semaphore(%run_scoped3A : memref<!tpu.dma_semaphore, #tpu.memory_space<semaphore_mem>>)
      %dma_wait3A_51 = tpu.memref_slice %arg4[%mul3A_2] : memref<16384xi32, #tpu.memory_space<hbm>> -> memref<512xi32, #tpu.memory_space<hbm>>
      %dma_wait3A_52 = tpu.memref_slice %arg4[%mul3A_2] : memref<16384xi32, #tpu.memory_space<hbm>> -> memref<512xi32, #tpu.memory_space<hbm>>
      tpu.wait_dma2 semaphore(%run_scoped3A : memref<!tpu.dma_semaphore, #tpu.memory_space<semaphore_mem>>) src(%dma_wait3A_52 : memref<512xi32, #tpu.memory_space<hbm>>) dst(%arg8 : memref<512xi32, #tpu.memory_space<vmem>>)
      tpu.yield
    }) : () -> ()
    %dma_wait3A = arith.constant 0 : i32
    %dma_wait3A_12 = tpu.memref_slice %arg7[%dma_wait3A] : memref<512xi32, #tpu.memory_space<vmem>> -> memref<256xi32, #tpu.memory_space<vmem>>
    %dma_wait3A_13 = arith.constant 0 : i32
    %dma_wait3A_14 = arith.constant 0 : i32
    %dma_wait3A_15 = tpu.memref_slice %arg2[%dma_wait3A_13, %dma_wait3A_14] : memref<1000000x128xf32, #tpu.memory_space<hbm>> -> memref<1000000x128xf32, #tpu.memory_space<hbm>>
    tpu.wait_indirect_dma semaphore(%arg11 : memref<!tpu.dma_semaphore, #tpu.memory_space<semaphore_mem>>) src(%dma_wait3A_15 : memref<1000000x128xf32, #tpu.memory_space<hbm>>) dst(%arg9 : memref<256x128xf32, #tpu.memory_space<vmem>>)
    %add3A_16 = arith.constant 0 : i32
    %add3A_17 = arith.addi %mul3A_2, %add3A_16 : i32
    "tpu.region"() ({
      %run_scoped3A = tpu.sem_alloc : memref<!tpu.dma_semaphore, #tpu.memory_space<semaphore_mem>>
      %dma_start3A_49 = arith.constant 0 : i32
      %dma_start3A_50 = tpu.memref_slice %arg5[%add3A_17, %dma_start3A_49] : memref<16384x128xf32, #tpu.memory_space<hbm>> -> memref<256x128xf32, #tpu.memory_space<hbm>>
      %dma_start3A_51 = arith.constant 0 : i32
      %dma_start3A_52 = tpu.memref_slice %arg5[%add3A_17, %dma_start3A_51] : memref<16384x128xf32, #tpu.memory_space<hbm>> -> memref<256x128xf32, #tpu.memory_space<hbm>>
      tpu.enqueue_dma source(%arg9 : memref<256x128xf32, #tpu.memory_space<vmem>>) target(%dma_start3A_52 : memref<256x128xf32, #tpu.memory_space<hbm>>) target_semaphore(%run_scoped3A : memref<!tpu.dma_semaphore, #tpu.memory_space<semaphore_mem>>)
      %dma_wait3A_53 = arith.constant 0 : i32
      %dma_wait3A_54 = tpu.memref_slice %arg5[%add3A_17, %dma_wait3A_53] : memref<16384x128xf32, #tpu.memory_space<hbm>> -> memref<256x128xf32, #tpu.memory_space<hbm>>
      %dma_wait3A_55 = arith.constant 0 : i32
      %dma_wait3A_56 = tpu.memref_slice %arg5[%add3A_17, %dma_wait3A_55] : memref<16384x128xf32, #tpu.memory_space<hbm>> -> memref<256x128xf32, #tpu.memory_space<hbm>>
      tpu.wait_dma2 semaphore(%run_scoped3A : memref<!tpu.dma_semaphore, #tpu.memory_space<semaphore_mem>>) src(%arg9 : memref<256x128xf32, #tpu.memory_space<vmem>>) dst(%dma_wait3A_56 : memref<256x128xf32, #tpu.memory_space<hbm>>)
      tpu.yield
    }) : () -> ()
    %dma_start3A_18 = arith.constant 0 : i32
    %dma_start3A_19 = tpu.memref_slice %arg8[%dma_start3A_18] : memref<512xi32, #tpu.memory_space<vmem>> -> memref<256xi32, #tpu.memory_space<vmem>>
    %dma_start3A_20 = arith.constant 0 : i32
    %dma_start3A_21 = arith.constant 0 : i32
    %dma_start3A_22 = tpu.memref_slice %arg2[%dma_start3A_20, %dma_start3A_21] : memref<1000000x128xf32, #tpu.memory_space<hbm>> -> memref<1000000x128xf32, #tpu.memory_space<hbm>>
    tpu.enqueue_indirect_dma source(%dma_start3A_22 : memref<1000000x128xf32, #tpu.memory_space<hbm>>) target(%arg9 : memref<256x128xf32, #tpu.memory_space<vmem>>) offsets(%dma_start3A_19 : memref<256xi32, #tpu.memory_space<vmem>>) semaphore(%arg11 : memref<!tpu.dma_semaphore, #tpu.memory_space<semaphore_mem>>)
    %dma_wait3A_23 = arith.constant 256 : i32
    %dma_wait3A_24 = tpu.memref_slice %arg7[%dma_wait3A_23] : memref<512xi32, #tpu.memory_space<vmem>> -> memref<256xi32, #tpu.memory_space<vmem>>
    %dma_wait3A_25 = arith.constant 0 : i32
    %dma_wait3A_26 = arith.constant 0 : i32
    %dma_wait3A_27 = tpu.memref_slice %arg2[%dma_wait3A_25, %dma_wait3A_26] : memref<1000000x128xf32, #tpu.memory_space<hbm>> -> memref<1000000x128xf32, #tpu.memory_space<hbm>>
    tpu.wait_indirect_dma semaphore(%arg12 : memref<!tpu.dma_semaphore, #tpu.memory_space<semaphore_mem>>) src(%dma_wait3A_27 : memref<1000000x128xf32, #tpu.memory_space<hbm>>) dst(%arg10 : memref<256x128xf32, #tpu.memory_space<vmem>>)
    %add3A_28 = arith.constant 256 : i32
    %add3A_29 = arith.addi %mul3A_2, %add3A_28 : i32
    "tpu.region"() ({
      %run_scoped3A = tpu.sem_alloc : memref<!tpu.dma_semaphore, #tpu.memory_space<semaphore_mem>>
      %dma_start3A_49 = arith.constant 0 : i32
      %dma_start3A_50 = tpu.memref_slice %arg5[%add3A_29, %dma_start3A_49] : memref<16384x128xf32, #tpu.memory_space<hbm>> -> memref<256x128xf32, #tpu.memory_space<hbm>>
      %dma_start3A_51 = arith.constant 0 : i32
      %dma_start3A_52 = tpu.memref_slice %arg5[%add3A_29, %dma_start3A_51] : memref<16384x128xf32, #tpu.memory_space<hbm>> -> memref<256x128xf32, #tpu.memory_space<hbm>>
      tpu.enqueue_dma source(%arg10 : memref<256x128xf32, #tpu.memory_space<vmem>>) target(%dma_start3A_52 : memref<256x128xf32, #tpu.memory_space<hbm>>) target_semaphore(%run_scoped3A : memref<!tpu.dma_semaphore, #tpu.memory_space<semaphore_mem>>)
      %dma_wait3A_53 = arith.constant 0 : i32
      %dma_wait3A_54 = tpu.memref_slice %arg5[%add3A_29, %dma_wait3A_53] : memref<16384x128xf32, #tpu.memory_space<hbm>> -> memref<256x128xf32, #tpu.memory_space<hbm>>
      %dma_wait3A_55 = arith.constant 0 : i32
      %dma_wait3A_56 = tpu.memref_slice %arg5[%add3A_29, %dma_wait3A_55] : memref<16384x128xf32, #tpu.memory_space<hbm>> -> memref<256x128xf32, #tpu.memory_space<hbm>>
      tpu.wait_dma2 semaphore(%run_scoped3A : memref<!tpu.dma_semaphore, #tpu.memory_space<semaphore_mem>>) src(%arg10 : memref<256x128xf32, #tpu.memory_space<vmem>>) dst(%dma_wait3A_56 : memref<256x128xf32, #tpu.memory_space<hbm>>)
      tpu.yield
    }) : () -> ()
    %dma_start3A_30 = arith.constant 256 : i32
    %dma_start3A_31 = tpu.memref_slice %arg8[%dma_start3A_30] : memref<512xi32, #tpu.memory_space<vmem>> -> memref<256xi32, #tpu.memory_space<vmem>>
    %dma_start3A_32 = arith.constant 0 : i32
    %dma_start3A_33 = arith.constant 0 : i32
    %dma_start3A_34 = tpu.memref_slice %arg2[%dma_start3A_32, %dma_start3A_33] : memref<1000000x128xf32, #tpu.memory_space<hbm>> -> memref<1000000x128xf32, #tpu.memory_space<hbm>>
    tpu.enqueue_indirect_dma source(%dma_start3A_34 : memref<1000000x128xf32, #tpu.memory_space<hbm>>) target(%arg10 : memref<256x128xf32, #tpu.memory_space<vmem>>) offsets(%dma_start3A_31 : memref<256xi32, #tpu.memory_space<vmem>>) semaphore(%arg12 : memref<!tpu.dma_semaphore, #tpu.memory_space<semaphore_mem>>)
    %dma_wait3A_35 = arith.constant 0 : i32
    %dma_wait3A_36 = tpu.memref_slice %arg8[%dma_wait3A_35] : memref<512xi32, #tpu.memory_space<vmem>> -> memref<256xi32, #tpu.memory_space<vmem>>
    %dma_wait3A_37 = arith.constant 0 : i32
    %dma_wait3A_38 = arith.constant 0 : i32
    %dma_wait3A_39 = tpu.memref_slice %arg2[%dma_wait3A_37, %dma_wait3A_38] : memref<1000000x128xf32, #tpu.memory_space<hbm>> -> memref<1000000x128xf32, #tpu.memory_space<hbm>>
    tpu.wait_indirect_dma semaphore(%arg11 : memref<!tpu.dma_semaphore, #tpu.memory_space<semaphore_mem>>) src(%dma_wait3A_39 : memref<1000000x128xf32, #tpu.memory_space<hbm>>) dst(%arg9 : memref<256x128xf32, #tpu.memory_space<vmem>>)
    %add3A_40 = arith.constant 0 : i32
    %add3A_41 = arith.addi %mul3A_2, %add3A_40 : i32
    "tpu.region"() ({
      %run_scoped3A = tpu.sem_alloc : memref<!tpu.dma_semaphore, #tpu.memory_space<semaphore_mem>>
      %dma_start3A_49 = arith.constant 0 : i32
      %dma_start3A_50 = tpu.memref_slice %arg6[%add3A_41, %dma_start3A_49] : memref<16384x128xf32, #tpu.memory_space<hbm>> -> memref<256x128xf32, #tpu.memory_space<hbm>>
      %dma_start3A_51 = arith.constant 0 : i32
      %dma_start3A_52 = tpu.memref_slice %arg6[%add3A_41, %dma_start3A_51] : memref<16384x128xf32, #tpu.memory_space<hbm>> -> memref<256x128xf32, #tpu.memory_space<hbm>>
      tpu.enqueue_dma source(%arg9 : memref<256x128xf32, #tpu.memory_space<vmem>>) target(%dma_start3A_52 : memref<256x128xf32, #tpu.memory_space<hbm>>) target_semaphore(%run_scoped3A : memref<!tpu.dma_semaphore, #tpu.memory_space<semaphore_mem>>)
      %dma_wait3A_53 = arith.constant 0 : i32
      %dma_wait3A_54 = tpu.memref_slice %arg6[%add3A_41, %dma_wait3A_53] : memref<16384x128xf32, #tpu.memory_space<hbm>> -> memref<256x128xf32, #tpu.memory_space<hbm>>
      %dma_wait3A_55 = arith.constant 0 : i32
      %dma_wait3A_56 = tpu.memref_slice %arg6[%add3A_41, %dma_wait3A_55] : memref<16384x128xf32, #tpu.memory_space<hbm>> -> memref<256x128xf32, #tpu.memory_space<hbm>>
      tpu.wait_dma2 semaphore(%run_scoped3A : memref<!tpu.dma_semaphore, #tpu.memory_space<semaphore_mem>>) src(%arg9 : memref<256x128xf32, #tpu.memory_space<vmem>>) dst(%dma_wait3A_56 : memref<256x128xf32, #tpu.memory_space<hbm>>)
      tpu.yield
    }) : () -> ()
    %dma_wait3A_42 = arith.constant 256 : i32
    %dma_wait3A_43 = tpu.memref_slice %arg8[%dma_wait3A_42] : memref<512xi32, #tpu.memory_space<vmem>> -> memref<256xi32, #tpu.memory_space<vmem>>
    %dma_wait3A_44 = arith.constant 0 : i32
    %dma_wait3A_45 = arith.constant 0 : i32
    %dma_wait3A_46 = tpu.memref_slice %arg2[%dma_wait3A_44, %dma_wait3A_45] : memref<1000000x128xf32, #tpu.memory_space<hbm>> -> memref<1000000x128xf32, #tpu.memory_space<hbm>>
    tpu.wait_indirect_dma semaphore(%arg12 : memref<!tpu.dma_semaphore, #tpu.memory_space<semaphore_mem>>) src(%dma_wait3A_46 : memref<1000000x128xf32, #tpu.memory_space<hbm>>) dst(%arg10 : memref<256x128xf32, #tpu.memory_space<vmem>>)
    %add3A_47 = arith.constant 256 : i32
    %add3A_48 = arith.addi %mul3A_2, %add3A_47 : i32
    "tpu.region"() ({
      %run_scoped3A = tpu.sem_alloc : memref<!tpu.dma_semaphore, #tpu.memory_space<semaphore_mem>>
      %dma_start3A_49 = arith.constant 0 : i32
      %dma_start3A_50 = tpu.memref_slice %arg6[%add3A_48, %dma_start3A_49] : memref<16384x128xf32, #tpu.memory_space<hbm>> -> memref<256x128xf32, #tpu.memory_space<hbm>>
      %dma_start3A_51 = arith.constant 0 : i32
      %dma_start3A_52 = tpu.memref_slice %arg6[%add3A_48, %dma_start3A_51] : memref<16384x128xf32, #tpu.memory_space<hbm>> -> memref<256x128xf32, #tpu.memory_space<hbm>>
      tpu.enqueue_dma source(%arg10 : memref<256x128xf32, #tpu.memory_space<vmem>>) target(%dma_start3A_52 : memref<256x128xf32, #tpu.memory_space<hbm>>) target_semaphore(%run_scoped3A : memref<!tpu.dma_semaphore, #tpu.memory_space<semaphore_mem>>)
      %dma_wait3A_53 = arith.constant 0 : i32
      %dma_wait3A_54 = tpu.memref_slice %arg6[%add3A_48, %dma_wait3A_53] : memref<16384x128xf32, #tpu.memory_space<hbm>> -> memref<256x128xf32, #tpu.memory_space<hbm>>
      %dma_wait3A_55 = arith.constant 0 : i32
      %dma_wait3A_56 = tpu.memref_slice %arg6[%add3A_48, %dma_wait3A_55] : memref<16384x128xf32, #tpu.memory_space<hbm>> -> memref<256x128xf32, #tpu.memory_space<hbm>>
      tpu.wait_dma2 semaphore(%run_scoped3A : memref<!tpu.dma_semaphore, #tpu.memory_space<semaphore_mem>>) src(%arg10 : memref<256x128xf32, #tpu.memory_space<vmem>>) dst(%dma_wait3A_56 : memref<256x128xf32, #tpu.memory_space<hbm>>)
      tpu.yield
    }) : () -> ()
    return
  }
}

module attributes {stable_mosaic.version = 14 : i64} {
  func.func @_rel_body(%arg0: i32, %arg1: memref<1x2048xi32, #tpu.memory_space<vmem>>, %arg2: memref<512x128xf32, #tpu.memory_space<vmem>>, %arg3: memref<2048x128xf32, #tpu.memory_space<vmem>>) attributes {dimension_semantics = [#tpu.dimension_semantics<arbitrary>], iteration_bounds = array<i64: 8>, scalar_prefetch = 0 : i64, scratch_operands = 0 : i64, tpu.core_type = #tpu.core_type<tc>, window_params = [{transform_indices = @transform_0, window_bounds = array<i64: 1, 2048>}, {pipeline_mode = #tpu.pipeline_mode<synchronous>, transform_indices = @transform_1, window_bounds = array<i64: 512, 128>}, {transform_indices = @transform_2, window_bounds = array<i64: 2048, 128>}]} {
    %get3A = arith.constant 0 : index
    %get3A_0 = arith.constant 0 : index
    %get3A_1 = vector.load %arg1[%get3A, %get3A_0] : memref<1x2048xi32, #tpu.memory_space<vmem>>, vector<1x2048xi32>
    %get3A_2 = vector.shape_cast %get3A_1 : vector<1x2048xi32> to vector<2048xi32>
    %iota3A = tpu.iota {dimensions = array<i32: 1>} : vector<2048x512xi32>
    %broadcast_in_dim3A = vector.shape_cast %get3A_2 : vector<2048xi32> to vector<2048x1xi32>
    %eq3A = vector.broadcast %broadcast_in_dim3A : vector<2048x1xi32> to vector<2048x512xi32>
    %eq3A_3 = arith.cmpi eq, %iota3A, %eq3A : vector<2048x512xi32>
    %convert_element_type3A = arith.extui %eq3A_3 : vector<2048x512xi1> to vector<2048x512xi32>
    %convert_element_type3A_4 = arith.sitofp %convert_element_type3A : vector<2048x512xi32> to vector<2048x512xf32>
    %convert_element_type3A_5 = arith.truncf %convert_element_type3A_4 : vector<2048x512xf32> to vector<2048x512xbf16>
    %get3A_6 = arith.constant 0 : index
    %get3A_7 = arith.constant 0 : index
    %get3A_8 = vector.load %arg2[%get3A_6, %get3A_7] : memref<512x128xf32, #tpu.memory_space<vmem>>, vector<512x128xf32>
    %convert_element_type3A_9 = arith.truncf %get3A_8 : vector<512x128xf32> to vector<512x128xbf16>
    %convert_element_type3A_10 = arith.extf %convert_element_type3A_9 : vector<512x128xbf16> to vector<512x128xf32>
    %sub3A = arith.subf %get3A_8, %convert_element_type3A_10 : vector<512x128xf32>
    %convert_element_type3A_11 = arith.truncf %sub3A : vector<512x128xf32> to vector<512x128xbf16>
    %dot_general3A = arith.constant dense<0.000000e+00> : vector<2048x128xf32>
    %dot_general3A_12 = tpu.matmul %convert_element_type3A_5, %convert_element_type3A_9, %dot_general3A {dimension_numbers = #tpu.dot_dimension_numbers<[1], [0], [0], [1], [0, 0, 1, 1], [], []>, transpose_lhs_hint = false} : vector<2048x512xbf16>, vector<512x128xbf16>, vector<2048x128xf32> -> vector<2048x128xf32>
    %dot_general3A_13 = arith.constant dense<0.000000e+00> : vector<2048x128xf32>
    %dot_general3A_14 = tpu.matmul %convert_element_type3A_5, %convert_element_type3A_11, %dot_general3A_13 {dimension_numbers = #tpu.dot_dimension_numbers<[1], [0], [0], [1], [0, 0, 1, 1], [], []>, transpose_lhs_hint = false} : vector<2048x512xbf16>, vector<512x128xbf16>, vector<2048x128xf32> -> vector<2048x128xf32>
    %add3A = arith.addf %dot_general3A_12, %dot_general3A_14 : vector<2048x128xf32>
    %swap3A = arith.constant 0 : index
    %swap3A_15 = arith.constant 0 : index
    %swap3A_16 = vector.load %arg3[%swap3A, %swap3A_15] : memref<2048x128xf32, #tpu.memory_space<vmem>>, vector<2048x128xf32>
    tpu.vector_store %arg3[%swap3A, %swap3A_15], %add3A {strides = array<i32>} : memref<2048x128xf32, #tpu.memory_space<vmem>>, vector<2048x128xf32>,
    return
  }
  func.func @transform_0(%arg0: i32) -> (i32, i32) {
    %c0_i32 = arith.constant 0 : i32
    %c0_i32_0 = arith.constant 0 : i32
    return %c0_i32, %arg0 : i32, i32
  }
  func.func @transform_1(%arg0: i32) -> (i32, i32) {
    %c0_i32 = arith.constant 0 : i32
    %c0_i32_0 = arith.constant 0 : i32
    %c0_i32_1 = arith.constant 0 : i32
    return %c0_i32, %c0_i32_0 : i32, i32
  }
  func.func @transform_2(%arg0: i32) -> (i32, i32) {
    %c0_i32 = arith.constant 0 : i32
    %c0_i32_0 = arith.constant 0 : i32
    return %arg0, %c0_i32 : i32, i32
  }
}

module attributes {stable_mosaic.version = 14 : i64} {
  func.func @_norm_body(%arg0: i32, %arg1: memref<8192x128xf32, #tpu.memory_space<vmem>>, %arg2: memref<8192x128xf32, #tpu.memory_space<vmem>>, %arg3: memref<8192x128xf32, #tpu.memory_space<vmem>>, %arg4: memref<8192x128xf32, #tpu.memory_space<vmem>>) attributes {dimension_semantics = [#tpu.dimension_semantics<arbitrary>], iteration_bounds = array<i64: 2>, scalar_prefetch = 0 : i64, scratch_operands = 0 : i64, tpu.core_type = #tpu.core_type<tc>, window_params = [{transform_indices = @transform_0, window_bounds = array<i64: 8192, 128>}, {transform_indices = @transform_1, window_bounds = array<i64: 8192, 128>}, {transform_indices = @transform_2, window_bounds = array<i64: 8192, 128>}, {transform_indices = @transform_3, window_bounds = array<i64: 8192, 128>}]} {
    %get3A = arith.constant 0 : index
    %get3A_0 = arith.constant 0 : index
    %get3A_1 = vector.load %arg1[%get3A, %get3A_0] : memref<8192x128xf32, #tpu.memory_space<vmem>>, vector<8192x128xf32>
    %abs3A = math.absf %get3A_1 : vector<8192x128xf32>
    %reduce_sum3A = arith.constant dense<0.000000e+00> : vector<8192xf32>
    %reduce_sum3A_2 = vector.multi_reduction <add>, %abs3A, %reduce_sum3A [1] : vector<8192x128xf32> to vector<8192xf32>
    %broadcast_in_dim3A = vector.shape_cast %reduce_sum3A_2 : vector<8192xf32> to vector<8192x1xf32>
    %max3A = arith.constant 9.99999996E-13 : f32
    %max3A_3 = vector.broadcast %max3A : f32 to vector<8192x1xf32>
    %max3A_4 = arith.maximumf %broadcast_in_dim3A, %max3A_3 : vector<8192x1xf32>
    %div3A = arith.constant 1.000000e+00 : f32
    %div3A_5 = vector.broadcast %div3A : f32 to vector<8192x1xf32>
    %div3A_6 = arith.divf %div3A_5, %max3A_4 : vector<8192x1xf32>
    %mul3A = vector.broadcast %div3A_6 : vector<8192x1xf32> to vector<8192x128xf32>
    %mul3A_7 = arith.mulf %get3A_1, %mul3A : vector<8192x128xf32>
    %swap3A = arith.constant 0 : index
    %swap3A_8 = arith.constant 0 : index
    %swap3A_9 = vector.load %arg3[%swap3A, %swap3A_8] : memref<8192x128xf32, #tpu.memory_space<vmem>>, vector<8192x128xf32>
    tpu.vector_store %arg3[%swap3A, %swap3A_8], %mul3A_7 {strides = array<i32>} : memref<8192x128xf32, #tpu.memory_space<vmem>>, vector<8192x128xf32>,
    %get3A_10 = arith.constant 0 : index
    %get3A_11 = arith.constant 0 : index
    %get3A_12 = vector.load %arg2[%get3A_10, %get3A_11] : memref<8192x128xf32, #tpu.memory_space<vmem>>, vector<8192x128xf32>
    %abs3A_13 = math.absf %get3A_12 : vector<8192x128xf32>
    %reduce_sum3A_14 = arith.constant dense<0.000000e+00> : vector<8192xf32>
    %reduce_sum3A_15 = vector.multi_reduction <add>, %abs3A_13, %reduce_sum3A_14 [1] : vector<8192x128xf32> to vector<8192xf32>
    %broadcast_in_dim3A_16 = vector.shape_cast %reduce_sum3A_15 : vector<8192xf32> to vector<8192x1xf32>
    %max3A_17 = arith.constant 9.99999996E-13 : f32
    %max3A_18 = vector.broadcast %max3A_17 : f32 to vector<8192x1xf32>
    %max3A_19 = arith.maximumf %broadcast_in_dim3A_16, %max3A_18 : vector<8192x1xf32>
    %div3A_20 = arith.constant 1.000000e+00 : f32
    %div3A_21 = vector.broadcast %div3A_20 : f32 to vector<8192x1xf32>
    %div3A_22 = arith.divf %div3A_21, %max3A_19 : vector<8192x1xf32>
    %mul3A_23 = vector.broadcast %div3A_22 : vector<8192x1xf32> to vector<8192x128xf32>
    %mul3A_24 = arith.mulf %get3A_12, %mul3A_23 : vector<8192x128xf32>
    %swap3A_25 = arith.constant 0 : index
    %swap3A_26 = arith.constant 0 : index
    %swap3A_27 = vector.load %arg4[%swap3A_25, %swap3A_26] : memref<8192x128xf32, #tpu.memory_space<vmem>>, vector<8192x128xf32>
    tpu.vector_store %arg4[%swap3A_25, %swap3A_26], %mul3A_24 {strides = array<i32>} : memref<8192x128xf32, #tpu.memory_space<vmem>>, vector<8192x128xf32>,
    return
  }
  func.func @transform_0(%arg0: i32) -> (i32, i32) {
    %c0_i32 = arith.constant 0 : i32
    %c0_i32_0 = arith.constant 0 : i32
    return %arg0, %c0_i32 : i32, i32
  }
  func.func @transform_1(%arg0: i32) -> (i32, i32) {
    %c0_i32 = arith.constant 0 : i32
    %c0_i32_0 = arith.constant 0 : i32
    return %arg0, %c0_i32 : i32, i32
  }
  func.func @transform_2(%arg0: i32) -> (i32, i32) {
    %c0_i32 = arith.constant 0 : i32
    %c0_i32_0 = arith.constant 0 : i32
    return %arg0, %c0_i32 : i32, i32
  }
  func.func @transform_3(%arg0: i32) -> (i32, i32) {
    %c0_i32 = arith.constant 0 : i32
    %c0_i32_0 = arith.constant 0 : i32
    return %arg0, %c0_i32 : i32, i32
  }
}

</mosaic_0001>

<sc_bundles>
// kernel: kernel.5.cloned.1.call-start
scs
__scs_entry_jumppad:
0x0: {  	(pc) =	sbr.rel $0x88, $3  }
0x1: {  	(tag) =	ssettag $0x0;
	lr =	simm.s32 $0x1  }
0x2: {  	[smem:$0x3F9C] =	sst lr;
	_ =	strace $0xD0000000  }
0x3: {  	_ = 	snop  }
0x4: {  	_ = 	snop  }
0x5: {  	_ = 	snop  }
0x6: {  	_ = 	snop  }
0x7: {  	_ = 	snop  }
__scs_overlays_trampoline_lowered:
0x8: {  	[smem:$0x3FAB] =	sst s0  }
0x9: {  	[smem:$0x3FAC] =	sst s1  }
0xa: {  	[smem:$0x3FAD] =	sst s2  }
0xb: {  	[smem:$0x3FAE] =	sst s3  }
0xc: {  	[smem:$0x3FAF] =	sst s4  }
0xd: {  	[smem:$0x3FB0] =	sst s5  }
0xe: {  	[smem:$0x3FB1] =	sst s6  }
0xf: {  	[smem:$0x3FB2] =	sst s7  }
0x10: {  	[smem:$0x3FB3] =	sst s8  }
0x11: {  	[smem:$0x3FB4] =	sst s9;
	s0 =	simm.s32 @!p0 $0x0  }
0x12: {  	s1 =	sld [smem:$0x3F9A];
	s0 =	simm.s32 @p0 $0x1  }
0x13: {  	[smem:$0x3FB5] =	sst s0;
	s0 =	simm.s32 @!p1 $0x0  }
0x14: {  	s2 =	sld [smem:$0x3F99];
	s0 =	simm.s32 @p1 $0x1  }
0x15: {  	[smem:$0x3FB6] =	sst s0;
	s0 =	simm.s32 @!p2 $0x0  }
0x16: {  	s3 =	sld [smem:$0x3FDB];
	s0 =	simm.s32 @p2 $0x1  }
0x17: {  	s4 =	simm.s32 $0x1BF5;
	[smem:$0x3FB8] =	sst s0  }
0x18: {  	s0 =	sld [smem:$0x3F9B];
	_ =	swait.ge [sflag:s4], $0x0  }
0x19: {  	s7 =	sld [smem:$0x3F9C]  }
0x1a: {  	s8 =	sadd.s32 $0xFFFFE003, lr  }
0x1b: {  	s9 =	sadd.s32 $0xFFFFFEF7, lr;
	s5 =	simm.s32 $0xFFFFFFFF;
	p2 =	slt.u32 s8, $0xFFFFF086  }
0x1c: {  	p1 =	slt.u32 s9, $0xF7A;
	s5 =	simm.s32 @!p2 $0x0  }
0x1d: {  	s5 =	simm.s32 @p1 $0x1;
	p0 =	seq.s32 s7, s2  }
0x1e: {  	s7 =	smul.u32 @!p0 $0xF7A, s2;
	p2 =	seq.s32 @!p0 s5, $0x0  }
0x1f: {  	s9 =	smul.u32 $0xF7A, s1;
	s8 =	simm.s32 @!p0 $0x1BF5;
	p2 =	por !p2, p0  }
0x20: {  	[sflag:s8] =	ssyncset.s32 @!p0 $0xFFFFF086;
	s6 =	sadd.s32 @!p0 s3, s7;
	s7 =	simm.s32 @!p0 $0x108  }
0x21: {  	s3 =	sadd.s32 s3, s9;
	s6 =	sadd.s32 @!p0 $0x88, s6;
	s7 =	simm.s32 @p2 $0x1082  }
0x22: {  	[simem:s7], [sflag:s8] =	dma.local @!p0 [hbm:s6], $0xF7A  }
0x23: {  	s9 =	sor.u32 $0xD0000000, s2;
	s6 =	simm.s32 $0x108;
	_ =	swait.ge @!p0 [sflag:s8], $0x0  }
0x24: {  	s3 =	sadd.s32 $0x88, s3;
	s6 =	simm.s32 @!p1 $0x1082;
	[sflag:s4] =	ssyncset.s32 $0xFFFFF086  }
0x25: {  	[simem:s6], [sflag:s4] =	dma.local [hbm:s3], $0xF7A  }
0x26: {  	[smem:$0x3F9C] =	sst s1;
	(tag) =	ssettag s2;
	_ =	strace s9  }
0x27: {  	s1 =	sld [smem:$0x3FAC]  }
0x28: {  	s2 =	sld [smem:$0x3FAD]  }
0x29: {  	s4 =	sld [smem:$0x3FAF]  }
0x2a: {  	p0 =	seq.s32 s5, $0x0;
	s5 =	sld [smem:$0x3FB0]  }
0x2b: {  	s6 =	sld [smem:$0x3FB1]  }
0x2c: {  	s7 =	sld [smem:$0x3FB2]  }
0x2d: {  	s3 =	simm.s32 $0x108;
	s8 =	sld [smem:$0x3FB3]  }
0x2e: {  	s3 =	simm.s32 @!p0 $0x1082;
	s9 =	sld [smem:$0x3FB4]  }
0x2f: {  	lr =	sadd.s32 s0, s3;
	s0 =	sld [smem:$0x3FAB]  }
0x30: {  	s3 =	sld [smem:$0x3FAE]  }
0x31: {  	[smem:$0x3FB7] =	sst s10  }
0x32: {  	s10 =	sld [smem:$0x3FB5];
	_ =	sdelay $0x3  }
0x33: {  	p0 =	seq.s32 s10, $0x1;
	s10 =	sld [smem:$0x3FB7];
	_ =	sdelay $0x3  }
0x34: {  	[smem:$0x3FB7] =	sst s10  }
0x35: {  	s10 =	sld [smem:$0x3FB6];
	_ =	sdelay $0x3  }
0x36: {  	p1 =	seq.s32 s10, $0x1;
	s10 =	sld [smem:$0x3FB7];
	_ =	sdelay $0x3  }
0x37: {  	[smem:$0x3FB7] =	sst s10  }
0x38: {  	s10 =	sld [smem:$0x3FB8]  }
0x39: {  	_ = 	snop;
	(pc) =	sbr.ind lr, $3  }
0x3a: {  	_ = 	snop  }
0x3b: {  	_ = 	snop  }
0x3c: {  	p2 =	seq.s32 s10, $0x1;
	s10 =	sld [smem:$0x3FB7]  }
0x3d: {  	_ =	shalt  }
0x3e: {  	_ =	shalt  }
0x3f: {  	_ =	shalt  }
0x40: {  	_ =	shalt  }
0x41: {  	_ =	shalt  }
0x42: {  	_ =	shalt  }
0x43: {  	_ =	shalt  }
0x44: {  	_ =	shalt  }
0x45: {  	_ =	shalt  }
0x46: {  	_ =	shalt  }
0x47: {  	_ =	shalt  }
0x48: {  	_ =	shalt  }
0x49: {  	_ =	shalt  }
0x4a: {  	_ =	shalt  }
0x4b: {  	_ =	shalt  }
0x4c: {  	_ =	shalt  }
0x4d: {  	_ =	shalt  }
0x4e: {  	_ =	shalt  }
0x4f: {  	_ =	shalt  }
0x50: {  	_ =	shalt  }
0x51: {  	_ =	shalt  }
0x52: {  	_ =	shalt  }
0x53: {  	_ =	shalt  }
0x54: {  	_ =	shalt  }
0x55: {  	_ =	shalt  }
0x56: {  	_ =	shalt  }
0x57: {  	_ =	shalt  }
0x58: {  	_ =	shalt  }
0x59: {  	_ =	shalt  }
0x5a: {  	_ =	shalt  }
0x5b: {  	_ =	shalt  }
0x5c: {  	_ =	shalt  }
0x5d: {  	_ =	shalt  }
0x5e: {  	_ =	shalt  }
0x5f: {  	_ =	shalt  }
0x60: {  	_ =	shalt  }
0x61: {  	_ =	shalt  }
0x62: {  	_ =	shalt  }
0x63: {  	_ =	shalt  }
0x64: {  	_ =	shalt  }
0x65: {  	_ =	shalt  }
0x66: {  	_ =	shalt  }
0x67: {  	_ =	shalt  }
0x68: {  	_ =	shalt  }
0x69: {  	_ =	shalt  }
0x6a: {  	_ =	shalt  }
0x6b: {  	_ =	shalt  }
0x6c: {  	_ =	shalt  }
0x6d: {  	_ =	shalt  }
0x6e: {  	_ =	shalt  }
0x6f: {  	_ =	shalt  }
0x70: {  	_ =	shalt  }
0x71: {  	_ =	shalt  }
0x72: {  	_ =	shalt  }
0x73: {  	_ =	shalt  }
0x74: {  	_ =	shalt  }
0x75: {  	_ =	shalt  }
0x76: {  	_ =	shalt  }
0x77: {  	_ =	shalt  }
0x78: {  	_ =	shalt  }
0x79: {  	_ =	shalt  }
0x7a: {  	_ =	shalt  }
0x7b: {  	_ =	shalt  }
0x7c: {  	_ =	shalt  }
0x7d: {  	_ =	shalt  }
0x7e: {  	_ =	shalt  }
0x7f: {  	_ =	shalt  }
0x80: {  	_ =	shalt  }
0x81: {  	_ =	shalt  }
0x82: {  	_ =	shalt  }
0x83: {  	_ =	shalt  }
0x84: {  	_ =	shalt  }
0x85: {  	_ =	shalt  }
0x86: {  	_ =	shalt  }
0x87: {  	_ =	shalt  }
.Lfunc_end0:
.L_simem_size_0:
called_computation_lowered:
.L_overlay_start_0:
0x88: {  	s2 =	sld [smem:$0x3FD9]  }
0x89: {  	s3 =	sld [smem:$0x3FFE];
	_ =	sdelay $0x1  }
0x8a: {  	s1 =	srdreg.scid  }
0x8b: {  	s0 =	sand.u32 $0x1, s1  }
0x8c: {  	s15 =	sshll.u32 s0, $0xA;
	s2 =	sadd.s32 s3, s2  }
0x8d: {  	s2 =	sadd.s32 s2, s15  }
0x8e: {  	[smem:$0x3FC3] =	sst s2  }
0x8f: {  	_ = 	snop  }
0x90: {  	s2 =	sld [smem:$0x3FD0]  }
0x91: {  	s16 =	sld [smem:$0x3FC9]  }
0x92: {  	s4 =	sld [smem:$0x3FC7]  }
0x93: {  	s6 =	simm.s32 $0xA;
	s7 =	simm.s32 $0x10;
	s5 =	sld [smem:$0x3FC6]  }
0x94: {  	[smem:s7], [sflag:s6] =	dma.local [hbm:s2], $0x1  }
0x95: {  	_ =	swait.eq [sflag:s6], $0x1  }
0x96: {  	[sflag:s6] =	ssyncset.done $0x0  }
0x97: {  	s17 =	sld [smem:$0x10];
	[sflag:s6] =	ssyncadd.s32 $0xFFFFFFFF  }
0x98: {  	s18 =	sld [smem:$0x12];
	(tm) =	ssettm $0x1  }
0x99: {  	s19 =	sld [smem:$0x3FFB];
	_ =	sdelay $0x3  }
0x9a: {  	_ =	strace s19  }
0x9b: {  	s7 =	sld [smem:$0x3FFC];
	_ =	sdelay $0x3  }
0x9c: {  	_ =	strace s7  }
0x9d: {  	s7 =	sld [smem:$0x3FFD];
	_ =	sdelay $0x3  }
0x9e: {  	_ =	strace s7  }
0x9f: {  	_ =	strace $0x8FFFFFFF  }
0xa0: {  	s20 =	sld [smem:$0x3FDB];
	_ =	sdelay $0x1  }
0xa1: {  	s8 =	simm.s32 $_scs_section_size  }
0xa2: {  	s9 =	simm.s32 $_size__tile_overlayer_lowered;
	s10 =	simm.s32 $_tile_overlayer_lowered  }
0xa3: {  	s23 =	simm.s32 $0x1BFF;
	s22 =	sshll.u32 s10, $0x1;
	s7 =	sadd.s32 s8, s20  }
0xa4: {  	s11 =	simm.s32 $0x0;
	s21 =	sshll.u32 s9, $0x1;
	s9 =	sadd.s32 s22, s7  }
0xa5: {  	[timem:s11], [sflag:s23] =	dma.local [hbm:s9], s21  }
0xa6: {  	_ =	swait.ge [sflag:s23], s21  }
0xa7: {  	s8 =	ssub.s32 $0x0, s21;
	[sflag:s23] =	ssyncset.done $0x0  }
0xa8: {  	[sflag:s23] =	ssyncadd.s32 s8;
	_ =	sdelay $0x1  }
0xa9: {  	s24 =	simm.s32 $0x1B8B  }
0xaa: {  	_ =	swait.ge [sflag:s24], $0x1  }
0xab: {  	[sflag:s24] =	ssyncset.done $0x0  }
0xac: {  	s25 =	simm.s32 $0x1B8E;
	[sflag:s24] =	ssyncadd.s32 $0xFFFFFFFF  }
0xad: {  	s26 =	simm.s32 $execute0_lowered;
	[smem:$0x3FD2] =	sst s25  }
0xae: {  	s8 =	sshll.u32 s26, $0x1;
	_ =	strace $0x80000046;
	[dreg:$0x1] =	wrdreg $0xFFFFFFFF  }
0xaf: {  	s28 =	simm.s32 $_size_execute0_lowered;
	s7 =	sadd.s32 s7, s8;
	[dreg:$0x0] =	wrdreg $0x0  }
0xb0: {  	s8 =	sshll.u32 s28, $0x1;
	[dreg:$0x2] =	wrdreg s7  }
0xb1: {  	[dreg:$0x3] =	wrdreg s8  }
0xb2: {  	[dreg:$0x4] =	wrdreg $0xC0  }
0xb3: {  	_ =	task [dreg:s11], $0x5FFFF  }
0xb4: {  	[dreg:$0x1] =	wrdreg $0xFFFFFFFF  }
0xb5: {  	[dreg:$0x0] =	wrdreg $0x60  }
0xb6: {  	[dreg:$0x2] =	wrdreg s5  }
0xb7: {  	[dreg:$0x3] =	wrdreg s16  }
0xb8: {  	[dreg:$0x4] =	wrdreg s4  }
0xb9: {  	[dreg:$0x5] =	wrdreg s18  }
0xba: {  	[dreg:$0x6] =	wrdreg s17  }
0xbb: {  	[dreg:$0x7] =	wrdreg $0x9  }
0xbc: {  	_ =	task.clear_ibuf [dreg:s11], $0x8FFFF;
	_ =	strace $0x90000046  }
0xbd: {  	s29 =	simm.s32 $0x9;
	_ =	strace $0x80000048  }
0xbe: {  	_ =	swait.ge [sflag:s29], $0x1  }
0xbf: {  	[sflag:s29] =	ssyncadd.s32 $0xFFFFFFFF  }
0xc0: {  	_ =	strace $0x90000048  }
0xc1: {  	_ =	sfence  }
0xc2: {  	s30 =	sld [smem:$0x0];
	_ =	sdelay $0x2  }
0xc3: {  	s31 =	sshll.u32 s1, $0xD;
	s1 =	sshrl.u32 s1, $0x2  }
0xc4: {  	s3 =	sand.u32 $0x4000, s31;
	s1 =	sadd.s32 s1, s30  }
0xc5: {  	s0 =	sor.u32 s3, s0;
	s1 =	sshll.u32 s1, $0x11  }
0xc6: {  	s0 =	sor.u32 s1, s0  }
0xc7: {  	s0 =	sadd.s32 $0x8F2B, s0  }
0xc8: {  	[sflag:s0] =	ssyncadd.remote.s32 $0x1  }
0xc9: {  	_ =	sfence.sel $0xFFFF  }
0xca: {  	[dreg:$0x0] =	wrdreg $0xFFFFFFFF;
	(pc) =	sbr.abs _section_cstart, $3  }
0xcb: {  	[dreg:$0x1] =	wrdreg $0xFFFFFFFF  }
0xcc: {  	_ =	task.clear_ibuf [dreg:s11], $0x2FFFF;
	_ =	strace $0x9FFFFFFF  }
0xcd: {  	(tm) =	ssettm $0x7FFFFFFF  }
tec
execute0_lowered:
.L_overlay_start_1:
0x0: {  	(tag) =	ssettag $0x1  }
0x1: {  	s1 =	rddreg [dreg:$0x0]  }
0x2: {  	s4 =	rddreg [dreg:$0x1]  }
0x3: {  	s9 =	rddreg [dreg:$0x2];
	s2 =	srdreg.scid  }
0x4: {  	s14 =	rddreg [dreg:$0x3];
	s0 =	stileid.u32;
	s17 =	sand.u32 $0x1, s2  }
0x5: {  	s18 =	rddreg [dreg:$0x4];
	s5 =	sshll.u32 s0, $0xA;
	s6 =	sshll.u32 s17, $0x9  }
0x6: {  	s3 =	simm.s32 $0x0;
	s2 =	rddreg [dreg:$0x5];
	s12 =	sor.u32 s6, s5  }
0x7: {  	[smem:$0x7FF] =	sst s3;
	s10 =	sshrl.u32 s12, $0x3  }
0x8: {  	_ =	strace $0x80000047;
	s5 =	sadd.s32 s4, s10;
	s4 =	simm.s32 $0x3  }
0x9: {  	[tilespmem:s3], [sflag:$0x3] =	stream.linear.gather [hbm4b:s5+s3], $0x200, $0x38;
	[tilespmem:$0x10400] =	vst v63  }
0xa: {  	_ =	swait.ge [sflag:s4], $0x200  }
0xb: {  	[sflag:s4] =	ssyncset.done $0x0  }
0xc: {  	s7 =	simm.s32 $0x400;
	s6 =	simm.s32 $0x100;
	[sflag:s4] =	ssyncadd.s32 $0xFFFFFE00  }
0xd: {  	[tilespmem:s7], [sflag:$0x1] =	stream.indirect.gather [hbm4b:s1+s6], $0x80, s3, s6, $0xb8;
	[tilespmem:$0x10400] =	vst v63  }
0xe: {  	s8 =	simm.s32 $0x8400  }
0xf: {  	[tilespmem:s8], [sflag:$0x2] =	stream.indirect.gather [hbm4b:s1+s6], $0x80, s6, s6, $0xb8;
	[tilespmem:$0x10400] =	vst v63  }
0x10: {  	s9 =	sadd.s32 s9, s10;
	s10 =	simm.s32 $0x200  }
0x11: {  	[tilespmem:s10], [sflag:$0x3] =	stream.linear.gather [hbm4b:s9+s3], $0x200, $0x38;
	[tilespmem:$0x10400] =	vst v63  }
0x12: {  	_ =	swait.ge [sflag:s4], $0x200  }
0x13: {  	[sflag:s4] =	ssyncset.done $0x0  }
0x14: {  	s11 =	simm.s32 $0x1;
	[sflag:s4] =	ssyncadd.s32 $0xFFFFFE00  }
0x15: {  	_ =	swait.ge [sflag:s11], $0x8000  }
0x16: {  	s16 =	sshll.u32 s12, $0x4;
	[sflag:s11] =	ssyncset.done $0x0  }
0x17: {  	s12 =	sadd.s32 s14, s16;
	[sflag:s11] =	ssyncadd.s32 $0xFFFF8000  }
0x18: {  	[hbm4b:s12+s3] =	stream.linear.scatter [tilespmem:s7], [sflag:$0x3], $0x8000, $0x38;
	[tilespmem:$0x10400] =	vst v63  }
0x19: {  	_ =	swait.ge [sflag:s4], $0x8000  }
0x1a: {  	[sflag:s4] =	ssyncset.done $0x0  }
0x1b: {  	s13 =	simm.s32 $0x2;
	[sflag:s4] =	ssyncadd.s32 $0xFFFF8000  }
0x1c: {  	[tilespmem:s7], [sflag:$0x1] =	stream.indirect.gather [hbm4b:s1+s6], $0x80, s10, s6, $0xb8;
	[tilespmem:$0x10400] =	vst v63  }
0x1d: {  	_ =	swait.ge [sflag:s13], $0x8000  }
0x1e: {  	s19 =	sor.u32 $0x1000, s16;
	[sflag:s13] =	ssyncset.done $0x0  }
0x1f: {  	s14 =	sadd.s32 s14, s19;
	[sflag:s13] =	ssyncadd.s32 $0xFFFF8000  }
0x20: {  	[hbm4b:s14+s3] =	stream.linear.scatter [tilespmem:s8], [sflag:$0x3], $0x8000, $0x38;
	[tilespmem:$0x10400] =	vst v63  }
0x21: {  	_ =	swait.ge [sflag:s4], $0x8000  }
0x22: {  	[sflag:s4] =	ssyncset.done $0x0  }
0x23: {  	s15 =	simm.s32 $0x300;
	[sflag:s4] =	ssyncadd.s32 $0xFFFF8000  }
0x24: {  	[tilespmem:s8], [sflag:$0x2] =	stream.indirect.gather [hbm4b:s1+s6], $0x80, s15, s6, $0xb8;
	[tilespmem:$0x10400] =	vst v63  }
0x25: {  	_ =	swait.ge [sflag:s11], $0x8000  }
0x26: {  	[sflag:s11] =	ssyncset.done $0x0  }
0x27: {  	s17 =	ssub.s32 $0x2, s17;
	s16 =	sadd.s32 s18, s16;
	[sflag:s11] =	ssyncadd.s32 $0xFFFF8000  }
0x28: {  	[hbm4b:s16+s3] =	stream.linear.scatter [tilespmem:s7], [sflag:$0x3], $0x8000, $0x38;
	[tilespmem:$0x10400] =	vst v63  }
0x29: {  	s20 =	sshrl.u32 s17, $0x1;
	_ =	swait.ge [sflag:s4], $0x8000  }
0x2a: {  	s20 =	ssub.s32 s17, s20;
	[sflag:s4] =	ssyncset.done $0x0  }
0x2b: {  	s31 =	smax.u32 s20, $0x1;
	[sflag:s4] =	ssyncadd.s32 $0xFFFF8000  }
0x2c: {  	p0 =	sne.s32 s31, $0x1;
	_ =	swait.ge [sflag:s13], $0x8000  }
.Ltmp0:
0x2d: {  	[sflag:s13] =	ssyncset.done $0x0;
	(pc) =	sbr.rel @!p0 .LBB2_2-.Ltmp0, $4  }
0x2e: {  	s17 =	sadd.s32 s18, s19;
	[sflag:s13] =	ssyncadd.s32 $0xFFFF8000  }
0x2f: {  	[hbm4b:s17+s3] =	stream.linear.scatter [tilespmem:s8], [sflag:$0x3], $0x8000, $0x38;
	[tilespmem:$0x10400] =	vst v63  }
0x30: {  	_ =	swait.ge [sflag:s4], $0x8000  }
0x31: {  	s18 =	sadd.s32 $0xFFFFFFFF, s31;
	[sflag:s4] =	ssyncset.done $0x0  }
.LBB2_1:
0x32: {  	p0 =	sne.s32 s18, $0x1;
	s18 =	sadd.s32 $0xFFFFFFFF, s18;
	[sflag:s4] =	ssyncadd.s32 $0xFFFF8000  }
0x33: {  	[tilespmem:s3], [sflag:$0x3] =	stream.linear.gather [hbm4b:s5+s3], $0x200, $0x38;
	[tilespmem:$0x10400] =	vst v63  }
0x34: {  	_ =	swait.ge [sflag:s4], $0x200  }
0x35: {  	[sflag:s4] =	ssyncset.done $0x0  }
0x36: {  	[sflag:s4] =	ssyncadd.s32 $0xFFFFFE00  }
0x37: {  	[tilespmem:s7], [sflag:$0x1] =	stream.indirect.gather [hbm4b:s1+s6], $0x80, s3, s6, $0xb8;
	[tilespmem:$0x10400] =	vst v63  }
0x38: {  	_ = 	snop  }
0x39: {  	[tilespmem:s8], [sflag:$0x2] =	stream.indirect.gather [hbm4b:s1+s6], $0x80, s6, s6, $0xb8;
	[tilespmem:$0x10400] =	vst v63  }
0x3a: {  	_ = 	snop  }
0x3b: {  	[tilespmem:s10], [sflag:$0x3] =	stream.linear.gather [hbm4b:s9+s3], $0x200, $0x38;
	[tilespmem:$0x10400] =	vst v63  }
0x3c: {  	_ =	swait.ge [sflag:s4], $0x200  }
0x3d: {  	[sflag:s4] =	ssyncset.done $0x0  }
0x3e: {  	[sflag:s4] =	ssyncadd.s32 $0xFFFFFE00  }
0x3f: {  	_ =	swait.ge [sflag:s11], $0x8000  }
0x40: {  	[sflag:s11] =	ssyncset.done $0x0  }
0x41: {  	[sflag:s11] =	ssyncadd.s32 $0xFFFF8000  }
0x42: {  	[hbm4b:s12+s3] =	stream.linear.scatter [tilespmem:s7], [sflag:$0x3], $0x8000, $0x38;
	[tilespmem:$0x10400] =	vst v63  }
0x43: {  	_ =	swait.ge [sflag:s4], $0x8000  }
0x44: {  	[sflag:s4] =	ssyncset.done $0x0  }
0x45: {  	[sflag:s4] =	ssyncadd.s32 $0xFFFF8000  }
0x46: {  	[tilespmem:s7], [sflag:$0x1] =	stream.indirect.gather [hbm4b:s1+s6], $0x80, s10, s6, $0xb8;
	[tilespmem:$0x10400] =	vst v63  }
0x47: {  	_ =	swait.ge [sflag:s13], $0x8000  }
0x48: {  	[sflag:s13] =	ssyncset.done $0x0  }
0x49: {  	[sflag:s13] =	ssyncadd.s32 $0xFFFF8000  }
0x4a: {  	[hbm4b:s14+s3] =	stream.linear.scatter [tilespmem:s8], [sflag:$0x3], $0x8000, $0x38;
	[tilespmem:$0x10400] =	vst v63  }
0x4b: {  	_ =	swait.ge [sflag:s4], $0x8000  }
0x4c: {  	[sflag:s4] =	ssyncset.done $0x0  }
0x4d: {  	[sflag:s4] =	ssyncadd.s32 $0xFFFF8000  }
0x4e: {  	[tilespmem:s8], [sflag:$0x2] =	stream.indirect.gather [hbm4b:s1+s6], $0x80, s15, s6, $0xb8;
	[tilespmem:$0x10400] =	vst v63  }
0x4f: {  	_ =	swait.ge [sflag:s11], $0x8000  }
0x50: {  	[sflag:s11] =	ssyncset.done $0x0  }
0x51: {  	[sflag:s11] =	ssyncadd.s32 $0xFFFF8000  }
0x52: {  	[hbm4b:s16+s3] =	stream.linear.scatter [tilespmem:s7], [sflag:$0x3], $0x8000, $0x38;
	[tilespmem:$0x10400] =	vst v63  }
0x53: {  	_ =	swait.ge [sflag:s4], $0x8000  }
0x54: {  	[sflag:s4] =	ssyncset.done $0x0  }
0x55: {  	[sflag:s4] =	ssyncadd.s32 $0xFFFF8000  }
0x56: {  	_ =	swait.ge [sflag:s13], $0x8000  }
.Ltmp1:
0x57: {  	[sflag:s13] =	ssyncset.done $0x0;
	(pc) =	sbr.rel @p0 .LBB2_1-.Ltmp1, $4  }
0x58: {  	[sflag:s13] =	ssyncadd.s32 $0xFFFF8000  }
0x59: {  	[hbm4b:s17+s3] =	stream.linear.scatter [tilespmem:s8], [sflag:$0x3], $0x8000, $0x38;
	[tilespmem:$0x10400] =	vst v63  }
0x5a: {  	_ =	swait.ge [sflag:s4], $0x8000  }
0x5b: {  	[sflag:s4] =	ssyncset.done $0x0  }
.LBB2_2:
0x5c: {  	[sflag:s4] =	ssyncadd.s32 $0xFFFF8000  }
0x5d: {  	_ =	sfence.sel $0x180000  }
0x5e: {  	[bflag:$0x0] =	sbarrier.arrive $0xFFFF  }
0x5f: {  	p0 =	sne.s32 s0, $0x0;
	_ =	strace $0x90000047  }
0x60: {  	s0 =	sadd.s32 @!p0 $0x100000, s2;
	[bflag:$0x2] =	sbarrier.arrive $0xFFFF  }
0x61: {  	[sflag:s0] =	ssyncadd.tile.s32 @!p0 $0x1;
	_ =	shalt  }
.Lfunc_end2:
_tile_overlayer_lowered:
.L_overlay_start_2:
0x62: {  	(tag) =	ssettag $0x2  }
0x63: {  	s0 =	rddreg [dreg:$0x0];
	s2 =	stileid.u32  }
0x64: {  	s1 =	rddreg [dreg:$0x1];
	p0 =	sne.s32 s2, $0x0  }
0x65: {  	s3 =	rddreg [dreg:$0x2];
	[bflag:$0x3] =	sbarrier.arrive $0xFFFF;
	s2 =	simm.s32 @!p0 $0x1C03  }
0x66: {  	[timem:s3], [sflag:s2] =	dma.local @!p0 [hbm:s0], s1  }
0x67: {  	s0 =	simm.s32 @!p0 $0x3  }
0x68: {  	_ =	swait.ge @!p0 [sflag:s0], s1  }
0x69: {  	s1 =	ssub.s32 @!p0 $0x0, s1;
	[sflag:s0] =	ssyncset.done @!p0 $0x0  }
0x6a: {  	[sflag:s0] =	ssyncadd.s32 @!p0 s1  }
0x6b: {  	[bflag:$0x3] =	sbarrier.arrive $0xFFFF  }
0x6c: {  	_ =	shalt  }

</sc_bundles>
